<compile_context>
chip_gen: v7x
topology: tpu7x:2x2x1
jax: 0.10.2.dev20260603
libtpu: 0.0.44.dev20260713+nightly
codegen_flags: <defaults>
</compile_context>

<pallas_src>
import functools

import jax
import jax.numpy as jnp
from jax import lax
from jax.experimental import pallas as pl
from jax.experimental.pallas import tpu as pltpu
from jax.experimental.pallas import tpu_sc as plsc

_B_TOT = 4096 * 200
_D = 128
_NC = 2
_NS = 16
_NW = _NC * _NS
_B_PER_W = _B_TOT // _NW
_CHUNK = 256
_NCHUNK = _B_PER_W // _CHUNK

_mesh = plsc.VectorSubcoreMesh(core_axis_name="c", subcore_axis_name="s")


@functools.partial(
    pl.kernel,
    mesh=_mesh,
    out_type=jax.ShapeDtypeStruct((_B_TOT, _D), jnp.float32),
    scratch_types=[
        pltpu.VMEM((_B_PER_W,), jnp.int32),
        pltpu.VMEM((_CHUNK, _D), jnp.float32),
        pltpu.VMEM((_CHUNK, _D), jnp.float32),
        pltpu.SemaphoreType.DMA,
        pltpu.SemaphoreType.DMA,
        pltpu.SemaphoreType.DMA,
        pltpu.SemaphoreType.DMA,
    ],
)
def _sc_gather(table_hbm, idx_hbm, out_hbm, idx_v, rows0, rows1, g0, g1, s0, s1):
    wid = lax.axis_index("s") * _NC + lax.axis_index("c")
    base = wid * _B_PER_W
    pltpu.sync_copy(idx_hbm.at[pl.ds(base, _B_PER_W)], idx_v)

    def start_gather(i, buf, sem):
        pltpu.async_copy(table_hbm.at[idx_v.at[pl.ds(i * _CHUNK, _CHUNK)]],
                         buf, sem)

    def start_scatter(i, buf, sem):
        pltpu.async_copy(buf, out_hbm.at[pl.ds(base + i * _CHUNK, _CHUNK)], sem)

    def wait_gather(buf, sem):
        pltpu.make_async_copy(table_hbm.at[pl.ds(0, _CHUNK)], buf, sem).wait()

    def wait_scatter(buf, sem):
        pltpu.make_async_copy(buf, out_hbm.at[pl.ds(base, _CHUNK)], sem).wait()

    start_gather(0, rows0, g0)
    wait_gather(rows0, g0)
    start_scatter(0, rows0, s0)
    start_gather(1, rows1, g1)

    def body(t, carry):
        i = 1 + 2 * t
        wait_gather(rows1, g1)
        start_scatter(i, rows1, s1)
        wait_scatter(rows0, s0)
        start_gather(i + 1, rows0, g0)
        wait_gather(rows0, g0)
        start_scatter(i + 1, rows0, s0)
        wait_scatter(rows1, s1)
        start_gather(i + 2, rows1, g1)
        return carry

    lax.fori_loop(0, (_NCHUNK - 2) // 2, body, 0)

    wait_gather(rows1, g1)
    start_scatter(_NCHUNK - 1, rows1, s1)
    wait_scatter(rows0, s0)
    wait_scatter(rows1, s1)


def kernel(x, embedding_table):
    idx = x.reshape(-1).astype(jnp.int32)
    out = _sc_gather(embedding_table, idx)
    return out.reshape(x.shape + (_D,))

# --- scband reference (transcript-rebuilt; emitter-appended) ---
"""Pipeline reference for scband-text-embedding-49228915147550 (READ-ONLY COPY).

The authoritative reference and input builder live on the scoring server;
editing this copy changes nothing except your own understanding.
"""

import jax, jax.numpy as jnp
import numpy as np


def setup_inputs(seed: int = 0) -> dict:
    key = jax.random.key(seed)
    k_idx, k_tab = jax.random.split(key)
    x = jax.random.randint(k_idx, (4096, 200), 0, 100000, dtype=jnp.int64)
    # learned embedding table per init_kwargs (num_embeddings=100000, embedding_dim=128)
    embedding_table = jax.random.normal(k_tab, (100000, 128), dtype=jnp.float32)
    return {"x": x, "embedding_table": embedding_table}


def reference(x, embedding_table):
    # nn.Embedding forward: row gather from the table
    return jnp.take(embedding_table, x, axis=0)

if __name__ == "__main__":
    import jax
    _d = setup_inputs()
    print(jax.jit(kernel)(*tuple(_d.values())))

</pallas_src>

<mosaic_0001>
#map = affine_map<(d0, d1) -> (0, 0)>
#map1 = affine_map<(d0, d1) -> (0)>
module attributes {stable_mosaic.version = 14 : i64} {
  func.func @_sc_gather(%arg0: i32, %arg1: i32, %arg2: memref<100000x128xf32, #tpu.memory_space<hbm>>, %arg3: memref<819200xi32, #tpu.memory_space<hbm>>, %arg4: memref<819200x128xf32, #tpu.memory_space<hbm>>, %arg5: memref<25600xi32, #tpu.memory_space<vmem>>, %arg6: memref<256x128xf32, #tpu.memory_space<vmem>>, %arg7: memref<256x128xf32, #tpu.memory_space<vmem>>, %arg8: memref<!tpu.dma_semaphore, #tpu.memory_space<semaphore_mem>>, %arg9: memref<!tpu.dma_semaphore, #tpu.memory_space<semaphore_mem>>, %arg10: memref<!tpu.dma_semaphore, #tpu.memory_space<semaphore_mem>>, %arg11: memref<!tpu.dma_semaphore, #tpu.memory_space<semaphore_mem>>) attributes {dimension_semantics = [#tpu.dimension_semantics<core_parallel>, #tpu.dimension_semantics<subcore_parallel>], iteration_bounds = array<i64: 2, 16>, scalar_prefetch = 0 : i64, scratch_operands = 7 : i64, tpu.core_type = #tpu.core_type<sc_vector_subcore>, window_params = [{transform_indices = #map}, {transform_indices = #map1}, {transform_indices = #map}]} {
    %mul3A = arith.constant 2 : i32
    %mul3A_0 = arith.muli %arg1, %mul3A : i32
    %add3A = arith.addi %mul3A_0, %arg0 : i32
    %mul3A_1 = arith.constant 25600 : i32
    %mul3A_2 = arith.muli %add3A, %mul3A_1 : i32
    "tpu.region"() ({
      %run_scoped3A = tpu.sem_alloc : memref<!tpu.dma_semaphore, #tpu.memory_space<semaphore_mem>>
      %dma_start3A_48 = tpu.memref_slice %arg3[%mul3A_2] : memref<819200xi32, #tpu.memory_space<hbm>> -> memref<25600xi32, #tpu.memory_space<hbm>>
      %dma_start3A_49 = tpu.memref_slice %arg3[%mul3A_2] : memref<819200xi32, #tpu.memory_space<hbm>> -> memref<25600xi32, #tpu.memory_space<hbm>>
      tpu.enqueue_dma source(%dma_start3A_49 : memref<25600xi32, #tpu.memory_space<hbm>>) target(%arg5 : memref<25600xi32, #tpu.memory_space<vmem>>) target_semaphore(%run_scoped3A : memref<!tpu.dma_semaphore, #tpu.memory_space<semaphore_mem>>)
      %dma_wait3A_50 = tpu.memref_slice %arg3[%mul3A_2] : memref<819200xi32, #tpu.memory_space<hbm>> -> memref<25600xi32, #tpu.memory_space<hbm>>
      %dma_wait3A_51 = tpu.memref_slice %arg3[%mul3A_2] : memref<819200xi32, #tpu.memory_space<hbm>> -> memref<25600xi32, #tpu.memory_space<hbm>>
      tpu.wait_dma2 semaphore(%run_scoped3A : memref<!tpu.dma_semaphore, #tpu.memory_space<semaphore_mem>>) src(%dma_wait3A_51 : memref<25600xi32, #tpu.memory_space<hbm>>) dst(%arg5 : memref<25600xi32, #tpu.memory_space<vmem>>)
      tpu.yield
    }) : () -> ()
    %dma_start3A = arith.constant 0 : i32
    %dma_start3A_3 = tpu.memref_slice %arg5[%dma_start3A] : memref<25600xi32, #tpu.memory_space<vmem>> -> memref<256xi32, #tpu.memory_space<vmem>>
    %dma_start3A_4 = arith.constant 0 : i32
    %dma_start3A_5 = arith.constant 0 : i32
    %dma_start3A_6 = tpu.memref_slice %arg2[%dma_start3A_4, %dma_start3A_5] : memref<100000x128xf32, #tpu.memory_space<hbm>> -> memref<100000x128xf32, #tpu.memory_space<hbm>>
    tpu.enqueue_indirect_dma source(%dma_start3A_6 : memref<100000x128xf32, #tpu.memory_space<hbm>>) target(%arg6 : memref<256x128xf32, #tpu.memory_space<vmem>>) offsets(%dma_start3A_3 : memref<256xi32, #tpu.memory_space<vmem>>) semaphore(%arg8 : memref<!tpu.dma_semaphore, #tpu.memory_space<semaphore_mem>>)
    %dma_wait3A = arith.constant 0 : i32
    %dma_wait3A_7 = arith.constant 0 : i32
    %dma_wait3A_8 = tpu.memref_slice %arg2[%dma_wait3A, %dma_wait3A_7] : memref<100000x128xf32, #tpu.memory_space<hbm>> -> memref<256x128xf32, #tpu.memory_space<hbm>>
    %dma_wait3A_9 = arith.constant 0 : i32
    %dma_wait3A_10 = arith.constant 0 : i32
    %dma_wait3A_11 = tpu.memref_slice %arg2[%dma_wait3A_9, %dma_wait3A_10] : memref<100000x128xf32, #tpu.memory_space<hbm>> -> memref<256x128xf32, #tpu.memory_space<hbm>>
    tpu.wait_dma2 semaphore(%arg8 : memref<!tpu.dma_semaphore, #tpu.memory_space<semaphore_mem>>) src(%dma_wait3A_11 : memref<256x128xf32, #tpu.memory_space<hbm>>) dst(%arg6 : memref<256x128xf32, #tpu.memory_space<vmem>>)
    %add3A_12 = arith.constant 0 : i32
    %add3A_13 = arith.addi %mul3A_2, %add3A_12 : i32
    %dma_start3A_14 = arith.constant 0 : i32
    %dma_start3A_15 = tpu.memref_slice %arg4[%add3A_13, %dma_start3A_14] : memref<819200x128xf32, #tpu.memory_space<hbm>> -> memref<256x128xf32, #tpu.memory_space<hbm>>
    %dma_start3A_16 = arith.constant 0 : i32
    %dma_start3A_17 = tpu.memref_slice %arg4[%add3A_13, %dma_start3A_16] : memref<819200x128xf32, #tpu.memory_space<hbm>> -> memref<256x128xf32, #tpu.memory_space<hbm>>
    tpu.enqueue_dma source(%arg6 : memref<256x128xf32, #tpu.memory_space<vmem>>) target(%dma_start3A_17 : memref<256x128xf32, #tpu.memory_space<hbm>>) target_semaphore(%arg10 : memref<!tpu.dma_semaphore, #tpu.memory_space<semaphore_mem>>)
    %dma_start3A_18 = arith.constant 256 : i32
    %dma_start3A_19 = tpu.memref_slice %arg5[%dma_start3A_18] : memref<25600xi32, #tpu.memory_space<vmem>> -> memref<256xi32, #tpu.memory_space<vmem>>
    %dma_start3A_20 = arith.constant 0 : i32
    %dma_start3A_21 = arith.constant 0 : i32
    %dma_start3A_22 = tpu.memref_slice %arg2[%dma_start3A_20, %dma_start3A_21] : memref<100000x128xf32, #tpu.memory_space<hbm>> -> memref<100000x128xf32, #tpu.memory_space<hbm>>
    tpu.enqueue_indirect_dma source(%dma_start3A_22 : memref<100000x128xf32, #tpu.memory_space<hbm>>) target(%arg7 : memref<256x128xf32, #tpu.memory_space<vmem>>) offsets(%dma_start3A_19 : memref<256xi32, #tpu.memory_space<vmem>>) semaphore(%arg9 : memref<!tpu.dma_semaphore, #tpu.memory_space<semaphore_mem>>)
    %scan3A = arith.constant 0 : i32
    %scan3A_23 = arith.constant 0 : i32
    %scan3A_24 = arith.constant 49 : i32
    %scan3A_25 = arith.addi %scan3A_23, %scan3A_24 : i32
    %scan3A_26 = arith.constant 1 : i32
    scf.for %scan3A_48 = %scan3A_23 to %scan3A_25 step %scan3A_26  : i32 {
      %mul3A_49 = arith.constant 2 : i32
      %mul3A_50 = arith.muli %mul3A_49, %scan3A_48 : i32
      %add3A_51 = arith.constant 1 : i32
      %add3A_52 = arith.addi %add3A_51, %mul3A_50 : i32
      %dma_wait3A_53 = arith.constant 0 : i32
      %dma_wait3A_54 = arith.constant 0 : i32
      %dma_wait3A_55 = tpu.memref_slice %arg2[%dma_wait3A_53, %dma_wait3A_54] : memref<100000x128xf32, #tpu.memory_space<hbm>> -> memref<256x128xf32, #tpu.memory_space<hbm>>
      %dma_wait3A_56 = arith.constant 0 : i32
      %dma_wait3A_57 = arith.constant 0 : i32
      %dma_wait3A_58 = tpu.memref_slice %arg2[%dma_wait3A_56, %dma_wait3A_57] : memref<100000x128xf32, #tpu.memory_space<hbm>> -> memref<256x128xf32, #tpu.memory_space<hbm>>
      tpu.wait_dma2 semaphore(%arg9 : memref<!tpu.dma_semaphore, #tpu.memory_space<semaphore_mem>>) src(%dma_wait3A_58 : memref<256x128xf32, #tpu.memory_space<hbm>>) dst(%arg7 : memref<256x128xf32, #tpu.memory_space<vmem>>)
      %mul3A_59 = arith.constant 256 : i32
      %mul3A_60 = arith.muli %add3A_52, %mul3A_59 : i32
      %add3A_61 = arith.addi %mul3A_2, %mul3A_60 : i32
      %dma_start3A_62 = arith.constant 0 : i32
      %dma_start3A_63 = tpu.memref_slice %arg4[%add3A_61, %dma_start3A_62] : memref<819200x128xf32, #tpu.memory_space<hbm>> -> memref<256x128xf32, #tpu.memory_space<hbm>>
      %dma_start3A_64 = arith.constant 0 : i32
      %dma_start3A_65 = tpu.memref_slice %arg4[%add3A_61, %dma_start3A_64] : memref<819200x128xf32, #tpu.memory_space<hbm>> -> memref<256x128xf32, #tpu.memory_space<hbm>>
      tpu.enqueue_dma source(%arg7 : memref<256x128xf32, #tpu.memory_space<vmem>>) target(%dma_start3A_65 : memref<256x128xf32, #tpu.memory_space<hbm>>) target_semaphore(%arg11 : memref<!tpu.dma_semaphore, #tpu.memory_space<semaphore_mem>>)
      %dma_wait3A_66 = arith.constant 0 : i32
      %dma_wait3A_67 = tpu.memref_slice %arg4[%mul3A_2, %dma_wait3A_66] : memref<819200x128xf32, #tpu.memory_space<hbm>> -> memref<256x128xf32, #tpu.memory_space<hbm>>
      %dma_wait3A_68 = arith.constant 0 : i32
      %dma_wait3A_69 = tpu.memref_slice %arg4[%mul3A_2, %dma_wait3A_68] : memref<819200x128xf32, #tpu.memory_space<hbm>> -> memref<256x128xf32, #tpu.memory_space<hbm>>
      tpu.wait_dma2 semaphore(%arg10 : memref<!tpu.dma_semaphore, #tpu.memory_space<semaphore_mem>>) src(%arg6 : memref<256x128xf32, #tpu.memory_space<vmem>>) dst(%dma_wait3A_69 : memref<256x128xf32, #tpu.memory_space<hbm>>)
      %add3A_70 = arith.constant 1 : i32
      %add3A_71 = arith.addi %add3A_52, %add3A_70 : i32
      %mul3A_72 = arith.constant 256 : i32
      %mul3A_73 = arith.muli %add3A_71, %mul3A_72 : i32
      %dma_start3A_74 = tpu.memref_slice %arg5[%mul3A_73] : memref<25600xi32, #tpu.memory_space<vmem>> -> memref<256xi32, #tpu.memory_space<vmem>>
      %dma_start3A_75 = arith.constant 0 : i32
      %dma_start3A_76 = arith.constant 0 : i32
      %dma_start3A_77 = tpu.memref_slice %arg2[%dma_start3A_75, %dma_start3A_76] : memref<100000x128xf32, #tpu.memory_space<hbm>> -> memref<100000x128xf32, #tpu.memory_space<hbm>>
      tpu.enqueue_indirect_dma source(%dma_start3A_77 : memref<100000x128xf32, #tpu.memory_space<hbm>>) target(%arg6 : memref<256x128xf32, #tpu.memory_space<vmem>>) offsets(%dma_start3A_74 : memref<256xi32, #tpu.memory_space<vmem>>) semaphore(%arg8 : memref<!tpu.dma_semaphore, #tpu.memory_space<semaphore_mem>>)
      %dma_wait3A_78 = arith.constant 0 : i32
      %dma_wait3A_79 = arith.constant 0 : i32
      %dma_wait3A_80 = tpu.memref_slice %arg2[%dma_wait3A_78, %dma_wait3A_79] : memref<100000x128xf32, #tpu.memory_space<hbm>> -> memref<256x128xf32, #tpu.memory_space<hbm>>
      %dma_wait3A_81 = arith.constant 0 : i32
      %dma_wait3A_82 = arith.constant 0 : i32
      %dma_wait3A_83 = tpu.memref_slice %arg2[%dma_wait3A_81, %dma_wait3A_82] : memref<100000x128xf32, #tpu.memory_space<hbm>> -> memref<256x128xf32, #tpu.memory_space<hbm>>
      tpu.wait_dma2 semaphore(%arg8 : memref<!tpu.dma_semaphore, #tpu.memory_space<semaphore_mem>>) src(%dma_wait3A_83 : memref<256x128xf32, #tpu.memory_space<hbm>>) dst(%arg6 : memref<256x128xf32, #tpu.memory_space<vmem>>)
      %add3A_84 = arith.constant 1 : i32
      %add3A_85 = arith.addi %add3A_52, %add3A_84 : i32
      %mul3A_86 = arith.constant 256 : i32
      %mul3A_87 = arith.muli %add3A_85, %mul3A_86 : i32
      %add3A_88 = arith.addi %mul3A_2, %mul3A_87 : i32
      %dma_start3A_89 = arith.constant 0 : i32
      %dma_start3A_90 = tpu.memref_slice %arg4[%add3A_88, %dma_start3A_89] : memref<819200x128xf32, #tpu.memory_space<hbm>> -> memref<256x128xf32, #tpu.memory_space<hbm>>
      %dma_start3A_91 = arith.constant 0 : i32
      %dma_start3A_92 = tpu.memref_slice %arg4[%add3A_88, %dma_start3A_91] : memref<819200x128xf32, #tpu.memory_space<hbm>> -> memref<256x128xf32, #tpu.memory_space<hbm>>
      tpu.enqueue_dma source(%arg6 : memref<256x128xf32, #tpu.memory_space<vmem>>) target(%dma_start3A_92 : memref<256x128xf32, #tpu.memory_space<hbm>>) target_semaphore(%arg10 : memref<!tpu.dma_semaphore, #tpu.memory_space<semaphore_mem>>)
      %dma_wait3A_93 = arith.constant 0 : i32
      %dma_wait3A_94 = tpu.memref_slice %arg4[%mul3A_2, %dma_wait3A_93] : memref<819200x128xf32, #tpu.memory_space<hbm>> -> memref<256x128xf32, #tpu.memory_space<hbm>>
      %dma_wait3A_95 = arith.constant 0 : i32
      %dma_wait3A_96 = tpu.memref_slice %arg4[%mul3A_2, %dma_wait3A_95] : memref<819200x128xf32, #tpu.memory_space<hbm>> -> memref<256x128xf32, #tpu.memory_space<hbm>>
      tpu.wait_dma2 semaphore(%arg11 : memref<!tpu.dma_semaphore, #tpu.memory_space<semaphore_mem>>) src(%arg7 : memref<256x128xf32, #tpu.memory_space<vmem>>) dst(%dma_wait3A_96 : memref<256x128xf32, #tpu.memory_space<hbm>>)
      %add3A_97 = arith.constant 2 : i32
      %add3A_98 = arith.addi %add3A_52, %add3A_97 : i32
      %mul3A_99 = arith.constant 256 : i32
      %mul3A_100 = arith.muli %add3A_98, %mul3A_99 : i32
      %dma_start3A_101 = tpu.memref_slice %arg5[%mul3A_100] : memref<25600xi32, #tpu.memory_space<vmem>> -> memref<256xi32, #tpu.memory_space<vmem>>
      %dma_start3A_102 = arith.constant 0 : i32
      %dma_start3A_103 = arith.constant 0 : i32
      %dma_start3A_104 = tpu.memref_slice %arg2[%dma_start3A_102, %dma_start3A_103] : memref<100000x128xf32, #tpu.memory_space<hbm>> -> memref<100000x128xf32, #tpu.memory_space<hbm>>
      tpu.enqueue_indirect_dma source(%dma_start3A_104 : memref<100000x128xf32, #tpu.memory_space<hbm>>) target(%arg7 : memref<256x128xf32, #tpu.memory_space<vmem>>) offsets(%dma_start3A_101 : memref<256xi32, #tpu.memory_space<vmem>>) semaphore(%arg9 : memref<!tpu.dma_semaphore, #tpu.memory_space<semaphore_mem>>)
    }
    %scan3A_27 = arith.constant 49 : i32
    %dma_wait3A_28 = arith.constant 0 : i32
    %dma_wait3A_29 = arith.constant 0 : i32
    %dma_wait3A_30 = tpu.memref_slice %arg2[%dma_wait3A_28, %dma_wait3A_29] : memref<100000x128xf32, #tpu.memory_space<hbm>> -> memref<256x128xf32, #tpu.memory_space<hbm>>
    %dma_wait3A_31 = arith.constant 0 : i32
    %dma_wait3A_32 = arith.constant 0 : i32
    %dma_wait3A_33 = tpu.memref_slice %arg2[%dma_wait3A_31, %dma_wait3A_32] : memref<100000x128xf32, #tpu.memory_space<hbm>> -> memref<256x128xf32, #tpu.memory_space<hbm>>
    tpu.wait_dma2 semaphore(%arg9 : memref<!tpu.dma_semaphore, #tpu.memory_space<semaphore_mem>>) src(%dma_wait3A_33 : memref<256x128xf32, #tpu.memory_space<hbm>>) dst(%arg7 : memref<256x128xf32, #tpu.memory_space<vmem>>)
    %add3A_34 = arith.constant 25344 : i32
    %add3A_35 = arith.addi %mul3A_2, %add3A_34 : i32
    %dma_start3A_36 = arith.constant 0 : i32
    %dma_start3A_37 = tpu.memref_slice %arg4[%add3A_35, %dma_start3A_36] : memref<819200x128xf32, #tpu.memory_space<hbm>> -> memref<256x128xf32, #tpu.memory_space<hbm>>
    %dma_start3A_38 = arith.constant 0 : i32
    %dma_start3A_39 = tpu.memref_slice %arg4[%add3A_35, %dma_start3A_38] : memref<819200x128xf32, #tpu.memory_space<hbm>> -> memref<256x128xf32, #tpu.memory_space<hbm>>
    tpu.enqueue_dma source(%arg7 : memref<256x128xf32, #tpu.memory_space<vmem>>) target(%dma_start3A_39 : memref<256x128xf32, #tpu.memory_space<hbm>>) target_semaphore(%arg11 : memref<!tpu.dma_semaphore, #tpu.memory_space<semaphore_mem>>)
    %dma_wait3A_40 = arith.constant 0 : i32
    %dma_wait3A_41 = tpu.memref_slice %arg4[%mul3A_2, %dma_wait3A_40] : memref<819200x128xf32, #tpu.memory_space<hbm>> -> memref<256x128xf32, #tpu.memory_space<hbm>>
    %dma_wait3A_42 = arith.constant 0 : i32
    %dma_wait3A_43 = tpu.memref_slice %arg4[%mul3A_2, %dma_wait3A_42] : memref<819200x128xf32, #tpu.memory_space<hbm>> -> memref<256x128xf32, #tpu.memory_space<hbm>>
    tpu.wait_dma2 semaphore(%arg10 : memref<!tpu.dma_semaphore, #tpu.memory_space<semaphore_mem>>) src(%arg6 : memref<256x128xf32, #tpu.memory_space<vmem>>) dst(%dma_wait3A_43 : memref<256x128xf32, #tpu.memory_space<hbm>>)
    %dma_wait3A_44 = arith.constant 0 : i32
    %dma_wait3A_45 = tpu.memref_slice %arg4[%mul3A_2, %dma_wait3A_44] : memref<819200x128xf32, #tpu.memory_space<hbm>> -> memref<256x128xf32, #tpu.memory_space<hbm>>
    %dma_wait3A_46 = arith.constant 0 : i32
    %dma_wait3A_47 = tpu.memref_slice %arg4[%mul3A_2, %dma_wait3A_46] : memref<819200x128xf32, #tpu.memory_space<hbm>> -> memref<256x128xf32, #tpu.memory_space<hbm>>
    tpu.wait_dma2 semaphore(%arg11 : memref<!tpu.dma_semaphore, #tpu.memory_space<semaphore_mem>>) src(%arg7 : memref<256x128xf32, #tpu.memory_space<vmem>>) dst(%dma_wait3A_47 : memref<256x128xf32, #tpu.memory_space<hbm>>)
    return
  }
}

</mosaic_0001>

<sc_bundles>
// kernel: kernel.3.cloned.1.call-start
scs
__scs_entry_jumppad:
0x0: {  	(pc) =	sbr.rel $0x88, $3  }
0x1: {  	(tag) =	ssettag $0x0;
	lr =	simm.s32 $0x1  }
0x2: {  	[smem:$0x3F9F] =	sst lr;
	_ =	strace $0xD0000000  }
0x3: {  	_ = 	snop  }
0x4: {  	_ = 	snop  }
0x5: {  	_ = 	snop  }
0x6: {  	_ = 	snop  }
0x7: {  	_ = 	snop  }
__scs_overlays_trampoline_lowered:
0x8: {  	[smem:$0x3FAE] =	sst s0  }
0x9: {  	[smem:$0x3FAF] =	sst s1  }
0xa: {  	[smem:$0x3FB0] =	sst s2  }
0xb: {  	[smem:$0x3FB1] =	sst s3  }
0xc: {  	[smem:$0x3FB2] =	sst s4  }
0xd: {  	[smem:$0x3FB3] =	sst s5  }
0xe: {  	[smem:$0x3FB4] =	sst s6  }
0xf: {  	[smem:$0x3FB5] =	sst s7  }
0x10: {  	[smem:$0x3FB6] =	sst s8  }
0x11: {  	[smem:$0x3FB7] =	sst s9;
	s0 =	simm.s32 @!p0 $0x0  }
0x12: {  	s1 =	sld [smem:$0x3F9D];
	s0 =	simm.s32 @p0 $0x1  }
0x13: {  	[smem:$0x3FB8] =	sst s0;
	s0 =	simm.s32 @!p1 $0x0  }
0x14: {  	s2 =	sld [smem:$0x3F9C];
	s0 =	simm.s32 @p1 $0x1  }
0x15: {  	[smem:$0x3FB9] =	sst s0;
	s0 =	simm.s32 @!p2 $0x0  }
0x16: {  	s3 =	sld [smem:$0x3FDB];
	s0 =	simm.s32 @p2 $0x1  }
0x17: {  	s4 =	simm.s32 $0x1BF5;
	[smem:$0x3FBB] =	sst s0  }
0x18: {  	s0 =	sld [smem:$0x3F9E];
	_ =	swait.ge [sflag:s4], $0x0  }
0x19: {  	s7 =	sld [smem:$0x3F9F]  }
0x1a: {  	s8 =	sadd.s32 $0xFFFFE003, lr  }
0x1b: {  	s9 =	sadd.s32 $0xFFFFFEF7, lr;
	s5 =	simm.s32 $0xFFFFFFFF;
	p2 =	slt.u32 s8, $0xFFFFF086  }
0x1c: {  	p1 =	slt.u32 s9, $0xF7A;
	s5 =	simm.s32 @!p2 $0x0  }
0x1d: {  	s5 =	simm.s32 @p1 $0x1;
	p0 =	seq.s32 s7, s2  }
0x1e: {  	s7 =	smul.u32 @!p0 $0xF7A, s2;
	p2 =	seq.s32 @!p0 s5, $0x0  }
0x1f: {  	s9 =	smul.u32 $0xF7A, s1;
	s8 =	simm.s32 @!p0 $0x1BF5;
	p2 =	por !p2, p0  }
0x20: {  	[sflag:s8] =	ssyncset.s32 @!p0 $0xFFFFF086;
	s6 =	sadd.s32 @!p0 s3, s7;
	s7 =	simm.s32 @!p0 $0x108  }
0x21: {  	s3 =	sadd.s32 s3, s9;
	s6 =	sadd.s32 @!p0 $0x88, s6;
	s7 =	simm.s32 @p2 $0x1082  }
0x22: {  	[simem:s7], [sflag:s8] =	dma.local @!p0 [hbm:s6], $0xF7A  }
0x23: {  	s9 =	sor.u32 $0xD0000000, s2;
	s6 =	simm.s32 $0x108;
	_ =	swait.ge @!p0 [sflag:s8], $0x0  }
0x24: {  	s3 =	sadd.s32 $0x88, s3;
	s6 =	simm.s32 @!p1 $0x1082;
	[sflag:s4] =	ssyncset.s32 $0xFFFFF086  }
0x25: {  	[simem:s6], [sflag:s4] =	dma.local [hbm:s3], $0xF7A  }
0x26: {  	[smem:$0x3F9F] =	sst s1;
	(tag) =	ssettag s2;
	_ =	strace s9  }
0x27: {  	s1 =	sld [smem:$0x3FAF]  }
0x28: {  	s2 =	sld [smem:$0x3FB0]  }
0x29: {  	s4 =	sld [smem:$0x3FB2]  }
0x2a: {  	p0 =	seq.s32 s5, $0x0;
	s5 =	sld [smem:$0x3FB3]  }
0x2b: {  	s6 =	sld [smem:$0x3FB4]  }
0x2c: {  	s7 =	sld [smem:$0x3FB5]  }
0x2d: {  	s3 =	simm.s32 $0x108;
	s8 =	sld [smem:$0x3FB6]  }
0x2e: {  	s3 =	simm.s32 @!p0 $0x1082;
	s9 =	sld [smem:$0x3FB7]  }
0x2f: {  	lr =	sadd.s32 s0, s3;
	s0 =	sld [smem:$0x3FAE]  }
0x30: {  	s3 =	sld [smem:$0x3FB1]  }
0x31: {  	[smem:$0x3FBA] =	sst s10  }
0x32: {  	s10 =	sld [smem:$0x3FB8];
	_ =	sdelay $0x3  }
0x33: {  	p0 =	seq.s32 s10, $0x1;
	s10 =	sld [smem:$0x3FBA];
	_ =	sdelay $0x3  }
0x34: {  	[smem:$0x3FBA] =	sst s10  }
0x35: {  	s10 =	sld [smem:$0x3FB9];
	_ =	sdelay $0x3  }
0x36: {  	p1 =	seq.s32 s10, $0x1;
	s10 =	sld [smem:$0x3FBA];
	_ =	sdelay $0x3  }
0x37: {  	[smem:$0x3FBA] =	sst s10  }
0x38: {  	s10 =	sld [smem:$0x3FBB]  }
0x39: {  	_ = 	snop;
	(pc) =	sbr.ind lr, $3  }
0x3a: {  	_ = 	snop  }
0x3b: {  	_ = 	snop  }
0x3c: {  	p2 =	seq.s32 s10, $0x1;
	s10 =	sld [smem:$0x3FBA]  }
0x3d: {  	_ =	shalt  }
0x3e: {  	_ =	shalt  }
0x3f: {  	_ =	shalt  }
0x40: {  	_ =	shalt  }
0x41: {  	_ =	shalt  }
0x42: {  	_ =	shalt  }
0x43: {  	_ =	shalt  }
0x44: {  	_ =	shalt  }
0x45: {  	_ =	shalt  }
0x46: {  	_ =	shalt  }
0x47: {  	_ =	shalt  }
0x48: {  	_ =	shalt  }
0x49: {  	_ =	shalt  }
0x4a: {  	_ =	shalt  }
0x4b: {  	_ =	shalt  }
0x4c: {  	_ =	shalt  }
0x4d: {  	_ =	shalt  }
0x4e: {  	_ =	shalt  }
0x4f: {  	_ =	shalt  }
0x50: {  	_ =	shalt  }
0x51: {  	_ =	shalt  }
0x52: {  	_ =	shalt  }
0x53: {  	_ =	shalt  }
0x54: {  	_ =	shalt  }
0x55: {  	_ =	shalt  }
0x56: {  	_ =	shalt  }
0x57: {  	_ =	shalt  }
0x58: {  	_ =	shalt  }
0x59: {  	_ =	shalt  }
0x5a: {  	_ =	shalt  }
0x5b: {  	_ =	shalt  }
0x5c: {  	_ =	shalt  }
0x5d: {  	_ =	shalt  }
0x5e: {  	_ =	shalt  }
0x5f: {  	_ =	shalt  }
0x60: {  	_ =	shalt  }
0x61: {  	_ =	shalt  }
0x62: {  	_ =	shalt  }
0x63: {  	_ =	shalt  }
0x64: {  	_ =	shalt  }
0x65: {  	_ =	shalt  }
0x66: {  	_ =	shalt  }
0x67: {  	_ =	shalt  }
0x68: {  	_ =	shalt  }
0x69: {  	_ =	shalt  }
0x6a: {  	_ =	shalt  }
0x6b: {  	_ =	shalt  }
0x6c: {  	_ =	shalt  }
0x6d: {  	_ =	shalt  }
0x6e: {  	_ =	shalt  }
0x6f: {  	_ =	shalt  }
0x70: {  	_ =	shalt  }
0x71: {  	_ =	shalt  }
0x72: {  	_ =	shalt  }
0x73: {  	_ =	shalt  }
0x74: {  	_ =	shalt  }
0x75: {  	_ =	shalt  }
0x76: {  	_ =	shalt  }
0x77: {  	_ =	shalt  }
0x78: {  	_ =	shalt  }
0x79: {  	_ =	shalt  }
0x7a: {  	_ =	shalt  }
0x7b: {  	_ =	shalt  }
0x7c: {  	_ =	shalt  }
0x7d: {  	_ =	shalt  }
0x7e: {  	_ =	shalt  }
0x7f: {  	_ =	shalt  }
0x80: {  	_ =	shalt  }
0x81: {  	_ =	shalt  }
0x82: {  	_ =	shalt  }
0x83: {  	_ =	shalt  }
0x84: {  	_ =	shalt  }
0x85: {  	_ =	shalt  }
0x86: {  	_ =	shalt  }
0x87: {  	_ =	shalt  }
.Lfunc_end0:
.L_simem_size_0:
called_computation_lowered:
.L_overlay_start_0:
0x88: {  	s2 =	sld [smem:$0x3FD9]  }
0x89: {  	s3 =	sld [smem:$0x3FFE];
	_ =	sdelay $0x1  }
0x8a: {  	s1 =	srdreg.scid  }
0x8b: {  	s0 =	sand.u32 $0x1, s1  }
0x8c: {  	s17 =	sshll.u32 s0, $0xA;
	s2 =	sadd.s32 s3, s2  }
0x8d: {  	s2 =	sadd.s32 s2, s17  }
0x8e: {  	[smem:$0x3FC6] =	sst s2  }
0x8f: {  	_ = 	snop  }
0x90: {  	s2 =	sld [smem:$0x3FC8]  }
0x91: {  	s18 =	sld [smem:$0x3FD0];
	(tm) =	ssettm $0x1  }
0x92: {  	s4 =	sld [smem:$0x3FFB];
	_ =	sdelay $0x3  }
0x93: {  	_ =	strace s4  }
0x94: {  	s4 =	sld [smem:$0x3FFC];
	_ =	sdelay $0x3  }
0x95: {  	_ =	strace s4  }
0x96: {  	s4 =	sld [smem:$0x3FFD];
	_ =	sdelay $0x3  }
0x97: {  	_ =	strace s4  }
0x98: {  	_ =	strace $0x8FFFFFFF  }
0x99: {  	s19 =	sld [smem:$0x3FDB];
	_ =	sdelay $0x1  }
0x9a: {  	s5 =	simm.s32 $_scs_section_size  }
0x9b: {  	s6 =	simm.s32 $_size__tile_overlayer_lowered;
	s7 =	simm.s32 $_tile_overlayer_lowered  }
0x9c: {  	s22 =	simm.s32 $0x1BFF;
	s21 =	sshll.u32 s7, $0x1;
	s4 =	sadd.s32 s5, s19  }
0x9d: {  	s8 =	simm.s32 $0x0;
	s20 =	sshll.u32 s6, $0x1;
	s6 =	sadd.s32 s21, s4  }
0x9e: {  	[timem:s8], [sflag:s22] =	dma.local [hbm:s6], s20  }
0x9f: {  	_ =	swait.ge [sflag:s22], s20  }
0xa0: {  	s5 =	ssub.s32 $0x0, s20;
	[sflag:s22] =	ssyncset.done $0x0  }
0xa1: {  	[sflag:s22] =	ssyncadd.s32 s5;
	_ =	sdelay $0x1  }
0xa2: {  	s23 =	simm.s32 $0x1B8B  }
0xa3: {  	_ =	swait.ge [sflag:s23], $0x1  }
0xa4: {  	[sflag:s23] =	ssyncset.done $0x0  }
0xa5: {  	s25 =	simm.s32 $0x1B8E;
	s24 =	sld [smem:$0x3FFE];
	[sflag:s23] =	ssyncadd.s32 $0xFFFFFFFF  }
0xa6: {  	s26 =	simm.s32 $execute0_lowered;
	[smem:$0x3FD2] =	sst s25  }
0xa7: {  	s6 =	sshll.u32 s26, $0x1;
	_ =	strace $0x80000046;
	[dreg:$0x1] =	wrdreg $0xFFFFFFFF  }
0xa8: {  	s28 =	simm.s32 $_size_execute0_lowered;
	s4 =	sadd.s32 s4, s6;
	[dreg:$0x0] =	wrdreg $0x0  }
0xa9: {  	s6 =	sshll.u32 s28, $0x1;
	[dreg:$0x2] =	wrdreg s4  }
0xaa: {  	[dreg:$0x3] =	wrdreg s6  }
0xab: {  	[dreg:$0x4] =	wrdreg $0xC0  }
0xac: {  	_ =	task [dreg:s8], $0x5FFFF  }
0xad: {  	[dreg:$0x1] =	wrdreg $0xFFFFFFFF  }
0xae: {  	[dreg:$0x0] =	wrdreg $0x60  }
0xaf: {  	[dreg:$0x2] =	wrdreg s2  }
0xb0: {  	[dreg:$0x3] =	wrdreg s24  }
0xb1: {  	[dreg:$0x4] =	wrdreg s18  }
0xb2: {  	[dreg:$0x5] =	wrdreg $0x9  }
0xb3: {  	_ =	task.clear_ibuf [dreg:s8], $0x6FFFF;
	_ =	strace $0x90000046  }
0xb4: {  	s29 =	simm.s32 $0x9;
	_ =	strace $0x80000048  }
0xb5: {  	_ =	swait.ge [sflag:s29], $0x1  }
0xb6: {  	[sflag:s29] =	ssyncadd.s32 $0xFFFFFFFF  }
0xb7: {  	_ =	strace $0x90000048  }
0xb8: {  	_ =	sfence  }
0xb9: {  	s30 =	sld [smem:$0x0];
	_ =	sdelay $0x2  }
0xba: {  	s31 =	sshll.u32 s1, $0xD;
	s1 =	sshrl.u32 s1, $0x2  }
0xbb: {  	s3 =	sand.u32 $0x4000, s31;
	s1 =	sadd.s32 s1, s30  }
0xbc: {  	s0 =	sor.u32 s3, s0;
	s1 =	sshll.u32 s1, $0x11  }
0xbd: {  	s0 =	sor.u32 s1, s0  }
0xbe: {  	s0 =	sadd.s32 $0x8F2B, s0  }
0xbf: {  	[sflag:s0] =	ssyncadd.remote.s32 $0x1  }
0xc0: {  	_ =	sfence.sel $0xFFFF  }
0xc1: {  	[dreg:$0x0] =	wrdreg $0xFFFFFFFF;
	(pc) =	sbr.abs _section_cstart, $3  }
0xc2: {  	[dreg:$0x1] =	wrdreg $0xFFFFFFFF  }
0xc3: {  	_ =	task.clear_ibuf [dreg:s8], $0x2FFFF;
	_ =	strace $0x9FFFFFFF  }
0xc4: {  	(tm) =	ssettm $0x7FFFFFFF  }
0xc5: {  	_ =	shalt  }
tec
execute0_lowered:
.L_overlay_start_1:
0x0: {  	(tag) =	ssettag $0x1  }
0x1: {  	s1 =	rddreg [dreg:$0x0];
	s2 =	srdreg.scid  }
0x2: {  	s0 =	stileid.u32;
	s4 =	rddreg [dreg:$0x1]  }
0x3: {  	s6 =	rddreg [dreg:$0x2];
	s3 =	simm.s32 $0x0;
	s13 =	simm.s32 $0xE400  }
0x4: {  	s14 =	simm.s32 $0x2;
	s15 =	simm.s32 $0x3;
	s16 =	simm.s32 $0x4  }
0x5: {  	s5 =	sand.u32 $0x1, s2;
	s26 =	sshll.u32 s0, $0x1;
	s12 =	smul.u32 $0xC8000, s0  }
0x6: {  	s2 =	rddreg [dreg:$0x3];
	s7 =	sor.u32 s5, s26;
	s29 =	smul.u32 $0x64000, s5  }
0x7: {  	s17 =	simm.s32 $0x0;
	[smem:$0x7FF] =	sst s3;
	s8 =	smul.u32 $0x6400, s7  }
0x8: {  	_ =	strace $0x80000047;
	s10 =	ssub.s32 $0x2, s5;
	s9 =	smul.u32 $0x64000, s7  }
0x9: {  	s7 =	smul.u32 $0x320000, s7;
	s11 =	sshrl.u32 s10, $0x1;
	s30 =	sadd.s32 s12, s6  }
0xa: {  	s12 =	simm.s32 $0x1;
	s28 =	ssub.s32 s10, s11;
	s31 =	sadd.s32 s29, s30  }
0xb: {  	s10 =	simm.s32 $0x100;
	s11 =	simm.s32 $0x6400;
	s8 =	sshrl.u32 s8, $0x3  }
0xc: {  	s7 =	sshrl.u32 s7, $0x3;
	s5 =	sadd.s32 s6, s9;
	s9 =	simm.s32 $0x5  }
0xd: {  	s4 =	sadd.s32 s8, s4;
	s6 =	sadd.s32 s6, s7;
	s7 =	smax.u32 s28, $0x1  }
0xe: {  	s8 =	sadd.s32 $0x1000, s31;
	s4 =	sadd.s32 $0x400, s4;
	s6 =	sadd.s32 $0x63000, s6  }
.LBB2_1:
0xf: {  	[tilespmem:s3], [sflag:$0x5] =	stream.linear.gather [hbm4b:s4+s3], $0x6400, $0x38;
	[tilespmem:$0x16400] =	vst v63  }
0x10: {  	_ =	swait.ge [sflag:s9], $0x6400  }
0x11: {  	[sflag:s9] =	ssyncset.done $0x0  }
0x12: {  	[sflag:s9] =	ssyncadd.s32 $0xFFFF9C00  }
0x13: {  	[tilespmem:s11], [sflag:$0x1] =	stream.indirect.gather [hbm4b:s1+s10], $0x80, s3, s10, $0xb8;
	[tilespmem:$0x16400] =	vst v63  }
0x14: {  	_ =	swait.ge [sflag:s12], $0x8000  }
0x15: {  	[sflag:s12] =	ssyncset.done $0x0  }
0x16: {  	[sflag:s12] =	ssyncadd.s32 $0xFFFF8000  }
0x17: {  	[hbm4b:s5+s3] =	stream.linear.scatter [tilespmem:s11], [sflag:$0x3], $0x8000, $0x38;
	[tilespmem:$0x16400] =	vst v63  }
0x18: {  	_ = 	snop  }
0x19: {  	[tilespmem:s13], [sflag:$0x2] =	stream.indirect.gather [hbm4b:s1+s10], $0x80, s10, s10, $0xb8;
	[tilespmem:$0x16400] =	vst v63  }
0x1a: {  	_ =	swait.ge [sflag:s14], $0x8000  }
0x1b: {  	[sflag:s14] =	ssyncset.done $0x0  }
0x1c: {  	[sflag:s14] =	ssyncadd.s32 $0xFFFF8000  }
0x1d: {  	[hbm4b:s8+s3] =	stream.linear.scatter [tilespmem:s13], [sflag:$0x4], $0x8000, $0x38;
	[tilespmem:$0x16400] =	vst v63  }
0x1e: {  	_ =	swait.ge [sflag:s15], $0x8000  }
0x1f: {  	[sflag:s15] =	ssyncset.done $0x0  }
0x20: {  	s18 =	simm.s32 $0x200;
	[sflag:s15] =	ssyncadd.s32 $0xFFFF8000  }
0x21: {  	[tilespmem:s11], [sflag:$0x1] =	stream.indirect.gather [hbm4b:s1+s10], $0x80, s18, s10, $0xb8;
	[tilespmem:$0x16400] =	vst v63  }
0x22: {  	_ =	swait.ge [sflag:s12], $0x8000  }
0x23: {  	[sflag:s12] =	ssyncset.done $0x0  }
0x24: {  	s31 =	sadd.s32 $0x1000, s8;
	[sflag:s12] =	ssyncadd.s32 $0xFFFF8000  }
0x25: {  	[hbm4b:s31+s3] =	stream.linear.scatter [tilespmem:s11], [sflag:$0x3], $0x8000, $0x38;
	[tilespmem:$0x16400] =	vst v63  }
0x26: {  	_ =	swait.ge [sflag:s16], $0x8000  }
0x27: {  	s20 =	simm.s32 $0x300;
	[sflag:s16] =	ssyncset.done $0x0  }
0x28: {  	s19 =	sadd.s32 $0x2000, s8;
	s18 =	simm.s32 $0x800;
	[sflag:s16] =	ssyncadd.s32 $0xFFFF8000  }
.LBB2_2:
0x29: {  	[tilespmem:s13], [sflag:$0x2] =	stream.indirect.gather [hbm4b:s1+s10], $0x80, s20, s10, $0xb8;
	[tilespmem:$0x16400] =	vst v63  }
0x2a: {  	s20 =	smov.u32 s18  }
0x2b: {  	p0 =	sne.s32 s18, $0x18000;
	s18 =	sadd.s32 $0x800, s18;
	_ =	swait.ge [sflag:s14], $0x8000  }
0x2c: {  	[sflag:s14] =	ssyncset.done $0x0  }
0x2d: {  	[sflag:s14] =	ssyncadd.s32 $0xFFFF8000  }
0x2e: {  	[hbm4b:s19+s3] =	stream.linear.scatter [tilespmem:s13], [sflag:$0x4], $0x8000, $0x38;
	[tilespmem:$0x16400] =	vst v63  }
0x2f: {  	_ =	swait.ge [sflag:s15], $0x8000  }
0x30: {  	s20 =	sshra.s32 s20, $0x2;
	[sflag:s15] =	ssyncset.done $0x0  }
0x31: {  	s21 =	sadd.s32 $0x200, s20;
	[sflag:s15] =	ssyncadd.s32 $0xFFFF8000  }
0x32: {  	[tilespmem:s11], [sflag:$0x1] =	stream.indirect.gather [hbm4b:s1+s10], $0x80, s21, s10, $0xb8;
	[tilespmem:$0x16400] =	vst v63  }
0x33: {  	_ =	swait.ge [sflag:s12], $0x8000  }
0x34: {  	[sflag:s12] =	ssyncset.done $0x0  }
.Ltmp0:
0x35: {  	s21 =	sadd.s32 $0x1000, s19;
	[sflag:s12] =	ssyncadd.s32 $0xFFFF8000;
	(pc) =	sbr.rel @p0 .LBB2_2-.Ltmp0, $4  }
0x36: {  	[hbm4b:s21+s3] =	stream.linear.scatter [tilespmem:s11], [sflag:$0x3], $0x8000, $0x38;
	[tilespmem:$0x16400] =	vst v63  }
0x37: {  	_ =	swait.ge [sflag:s16], $0x8000  }
0x38: {  	[sflag:s16] =	ssyncset.done $0x0  }
0x39: {  	s20 =	sadd.s32 $0x300, s20;
	s19 =	sadd.s32 $0x2000, s19;
	[sflag:s16] =	ssyncadd.s32 $0xFFFF8000  }
0x3a: {  	[tilespmem:s13], [sflag:$0x2] =	stream.indirect.gather [hbm4b:s1+s10], $0x80, s20, s10, $0xb8;
	[tilespmem:$0x16400] =	vst v63  }
0x3b: {  	_ =	swait.ge [sflag:s14], $0x8000  }
0x3c: {  	[sflag:s14] =	ssyncset.done $0x0  }
0x3d: {  	s17 =	sadd.s32 $0x1, s17;
	[sflag:s14] =	ssyncadd.s32 $0xFFFF8000  }
0x3e: {  	[hbm4b:s6+s3] =	stream.linear.scatter [tilespmem:s13], [sflag:$0x4], $0x8000, $0x38;
	[tilespmem:$0x16400] =	vst v63  }
0x3f: {  	p0 =	sne.s32 s17, s7;
	_ =	swait.ge [sflag:s15], $0x8000  }
.Ltmp1:
0x40: {  	[sflag:s15] =	ssyncset.done $0x0;
	(pc) =	sbr.rel @p0 .LBB2_1-.Ltmp1, $4  }
0x41: {  	[sflag:s15] =	ssyncadd.s32 $0xFFFF8000  }
0x42: {  	_ =	swait.ge [sflag:s16], $0x8000  }
0x43: {  	[sflag:s16] =	ssyncset.done $0x0  }
0x44: {  	[sflag:s16] =	ssyncadd.s32 $0xFFFF8000  }
0x45: {  	_ =	sfence.sel $0x180000  }
0x46: {  	[bflag:$0x0] =	sbarrier.arrive $0xFFFF  }
0x47: {  	p0 =	sne.s32 s0, $0x0;
	_ =	strace $0x90000047  }
0x48: {  	s0 =	sadd.s32 @!p0 $0x100000, s2;
	[bflag:$0x2] =	sbarrier.arrive $0xFFFF  }
0x49: {  	[sflag:s0] =	ssyncadd.tile.s32 @!p0 $0x1;
	_ =	shalt  }
.Lfunc_end2:
_tile_overlayer_lowered:
.L_overlay_start_2:
0x4a: {  	(tag) =	ssettag $0x2  }
0x4b: {  	s0 =	rddreg [dreg:$0x0];
	s2 =	stileid.u32  }
0x4c: {  	s1 =	rddreg [dreg:$0x1];
	p0 =	sne.s32 s2, $0x0  }
0x4d: {  	s3 =	rddreg [dreg:$0x2];
	[bflag:$0x3] =	sbarrier.arrive $0xFFFF;
	s2 =	simm.s32 @!p0 $0x1C05  }
0x4e: {  	[timem:s3], [sflag:s2] =	dma.local @!p0 [hbm:s0], s1  }
0x4f: {  	s0 =	simm.s32 @!p0 $0x5  }
0x50: {  	_ =	swait.ge @!p0 [sflag:s0], s1  }
0x51: {  	s1 =	ssub.s32 @!p0 $0x0, s1;
	[sflag:s0] =	ssyncset.done @!p0 $0x0  }
0x52: {  	[sflag:s0] =	ssyncadd.s32 @!p0 s1  }
0x53: {  	[bflag:$0x3] =	sbarrier.arrive $0xFFFF  }
0x54: {  	_ =	shalt  }

</sc_bundles>
